<compile_context>
chip_gen: v7x
topology: tpu7x:2x2x1
jax: 0.10.2.dev20260603
libtpu: 0.0.44.dev20260713+nightly
codegen_flags: <defaults>
</compile_context>

<pallas_src>
import jax
import jax.numpy as jnp
from jax import lax
from jax.experimental import pallas as pl
from jax.experimental.pallas import tpu as pltpu
from jax.experimental.pallas import tpu_sc as plsc

ROWS, COLS = 4096, 200
EMBED = 64
B = ROWS * COLS
NC, NS = 2, 16
NW = NC * NS
B_PER_W = B // NW
CHUNK = 800
NCHUNK = B_PER_W // CHUNK


def _gather_body(idx_hbm, table_hbm, out_hbm, idx_v, rows_v, gsem0, gsem1):
    wid = lax.axis_index("s") * NC + lax.axis_index("c")
    base = wid * B_PER_W
    gsems = (gsem0, gsem1)

    pltpu.sync_copy(idx_hbm.at[pl.ds(pl.multiple_of(base, B_PER_W), B_PER_W)],
                    idx_v)

    def start_gather(g, b):
        off = pl.multiple_of(g * CHUNK, CHUNK)
        pltpu.async_copy(table_hbm.at[idx_v.at[pl.ds(off, CHUNK)]],
                         rows_v.at[b], gsems[b])

    start_gather(0, 0)

    def step(i, carry):
        for b in range(2):
            g = i * 2 + b
            pltpu.make_async_copy(table_hbm.at[pl.ds(0, CHUNK)],
                                  rows_v.at[b], gsems[b]).wait()

            @pl.when(g < NCHUNK - 1)
            def _():
                start_gather(g + 1, 1 - b)

            off = pl.multiple_of(base + g * CHUNK, CHUNK)
            pltpu.sync_copy(rows_v.at[b],
                            out_hbm.at[pl.ds(off, CHUNK), pl.ds(0, EMBED)])
        return carry

    lax.fori_loop(0, NCHUNK // 2, step, 0, unroll=False)


@jax.jit
def _embed(idx_flat, table):
    mesh = plsc.VectorSubcoreMesh(core_axis_name="c", subcore_axis_name="s")
    fn = pl.kernel(
        _gather_body,
        out_type=jax.ShapeDtypeStruct((B, 128), jnp.float32),
        mesh=mesh,
        scratch_types=[
            pltpu.VMEM((B_PER_W,), jnp.int32),
            pltpu.VMEM((2, CHUNK, EMBED), jnp.float32),
            pltpu.SemaphoreType.DMA,
            pltpu.SemaphoreType.DMA,
        ],
        compiler_params=pltpu.CompilerParams(use_tc_tiling_on_sc=False),
    )
    return fn(idx_flat, table)


def kernel(token_idxs, table):
    idx_flat = token_idxs.reshape(B).astype(jnp.int32)
    out = _embed(idx_flat, table)
    return out.reshape(ROWS, COLS, 128)[:, :, :EMBED]

# --- scband reference (transcript-rebuilt; emitter-appended) ---
"""Pipeline reference for scband-token-unit-embedder-50302656971019 (READ-ONLY COPY).

The authoritative reference and input builder live on the scoring server;
editing this copy changes nothing except your own understanding.
"""

import jax, jax.numpy as jnp
import numpy as np

VOCAB = 1000000
EMBED = 64

def setup_inputs(seed: int = 0) -> dict:
    key = jax.random.key(seed)
    k_idx, k_w = jax.random.split(key)
    token_idxs = jax.random.randint(k_idx, (4096, 200), 0, VOCAB, dtype=jnp.int64 if jax.config.jax_enable_x64 else jnp.int32)
    # xavier_uniform init for embedding table [VOCAB, EMBED]
    limit = float(np.sqrt(6.0 / (VOCAB + EMBED)))
    table = jax.random.uniform(k_w, (VOCAB, EMBED), dtype=jnp.float32, minval=-limit, maxval=limit)
    return {"token_idxs": token_idxs, "table": table}

def reference(token_idxs, table):
    # Embedding lookup; dropout is identity in eval/inference mode.
    emb = jnp.take(table, token_idxs, axis=0)
    return emb

if __name__ == "__main__":
    import jax
    _d = setup_inputs()
    print(jax.jit(kernel)(*tuple(_d.values())))

</pallas_src>

<mosaic_0001>
#map = affine_map<(d0, d1) -> (0)>
#map1 = affine_map<(d0, d1) -> (0, 0)>
module attributes {stable_mosaic.version = 14 : i64} {
  func.func @_gather_body(%arg0: i32, %arg1: i32, %arg2: memref<819200xi32, #tpu.memory_space<hbm>>, %arg3: memref<1000000x64xf32, #tpu.memory_space<hbm>>, %arg4: memref<819200x128xf32, #tpu.memory_space<hbm>>, %arg5: memref<25600xi32, #tpu.memory_space<vmem>>, %arg6: memref<2x800x64xf32, #tpu.memory_space<vmem>>, %arg7: memref<!tpu.dma_semaphore, #tpu.memory_space<semaphore_mem>>, %arg8: memref<!tpu.dma_semaphore, #tpu.memory_space<semaphore_mem>>) attributes {dimension_semantics = [#tpu.dimension_semantics<core_parallel>, #tpu.dimension_semantics<subcore_parallel>], iteration_bounds = array<i64: 2, 16>, scalar_prefetch = 0 : i64, scratch_operands = 4 : i64, tpu.core_type = #tpu.core_type<sc_vector_subcore>, window_params = [{transform_indices = #map}, {transform_indices = #map1}, {transform_indices = #map1}]} {
    %mul3A = arith.constant 2 : i32
    %mul3A_0 = arith.muli %arg1, %mul3A : i32
    %add3A = arith.addi %mul3A_0, %arg0 : i32
    %mul3A_1 = arith.constant 25600 : i32
    %mul3A_2 = arith.muli %add3A, %mul3A_1 : i32
    %multiple_of3A = tpu.assume_multiple %mul3A_2, 25600 : i32
    "tpu.region"() ({
      %run_scoped3A = tpu.sem_alloc : memref<!tpu.dma_semaphore, #tpu.memory_space<semaphore_mem>>
      %dma_start3A_18 = tpu.memref_slice %arg2[%multiple_of3A] : memref<819200xi32, #tpu.memory_space<hbm>> -> memref<25600xi32, #tpu.memory_space<hbm>>
      %dma_start3A_19 = tpu.memref_slice %arg2[%multiple_of3A] : memref<819200xi32, #tpu.memory_space<hbm>> -> memref<25600xi32, #tpu.memory_space<hbm>>
      tpu.enqueue_dma source(%dma_start3A_19 : memref<25600xi32, #tpu.memory_space<hbm>>) target(%arg5 : memref<25600xi32, #tpu.memory_space<vmem>>) target_semaphore(%run_scoped3A : memref<!tpu.dma_semaphore, #tpu.memory_space<semaphore_mem>>)
      %dma_wait3A = tpu.memref_slice %arg2[%multiple_of3A] : memref<819200xi32, #tpu.memory_space<hbm>> -> memref<25600xi32, #tpu.memory_space<hbm>>
      %dma_wait3A_20 = tpu.memref_slice %arg2[%multiple_of3A] : memref<819200xi32, #tpu.memory_space<hbm>> -> memref<25600xi32, #tpu.memory_space<hbm>>
      tpu.wait_dma2 semaphore(%run_scoped3A : memref<!tpu.dma_semaphore, #tpu.memory_space<semaphore_mem>>) src(%dma_wait3A_20 : memref<25600xi32, #tpu.memory_space<hbm>>) dst(%arg5 : memref<25600xi32, #tpu.memory_space<vmem>>)
      tpu.yield
    }) : () -> ()
    %multiple_of3A_3 = arith.constant 0 : i32
    %multiple_of3A_4 = tpu.assume_multiple %multiple_of3A_3, 800 : i32
    %dma_start3A = arith.constant 0 : i32
    %dma_start3A_5 = arith.constant 0 : i32
    %dma_start3A_6 = arith.constant 0 : i32
    %dma_start3A_7 = tpu.memref_slice %arg6[%dma_start3A, %dma_start3A_5, %dma_start3A_6] : memref<2x800x64xf32, #tpu.memory_space<vmem>> -> memref<1x800x64xf32, #tpu.memory_space<vmem>>
    %dma_start3A_8 = tpu.memref_squeeze %dma_start3A_7 : memref<1x800x64xf32, #tpu.memory_space<vmem>> -> memref<800x64xf32, #tpu.memory_space<vmem>>
    %dma_start3A_9 = tpu.memref_slice %arg5[%multiple_of3A_4] : memref<25600xi32, #tpu.memory_space<vmem>> -> memref<800xi32, #tpu.memory_space<vmem>>
    %dma_start3A_10 = arith.constant 0 : i32
    %dma_start3A_11 = arith.constant 0 : i32
    %dma_start3A_12 = tpu.memref_slice %arg3[%dma_start3A_10, %dma_start3A_11] : memref<1000000x64xf32, #tpu.memory_space<hbm>> -> memref<1000000x64xf32, #tpu.memory_space<hbm>>
    tpu.enqueue_indirect_dma source(%dma_start3A_12 : memref<1000000x64xf32, #tpu.memory_space<hbm>>) target(%dma_start3A_8 : memref<800x64xf32, #tpu.memory_space<vmem>>) offsets(%dma_start3A_9 : memref<800xi32, #tpu.memory_space<vmem>>) semaphore(%arg7 : memref<!tpu.dma_semaphore, #tpu.memory_space<semaphore_mem>>)
    %scan3A = arith.constant 0 : i32
    %scan3A_13 = arith.constant 0 : i32
    %scan3A_14 = arith.constant 16 : i32
    %scan3A_15 = arith.addi %scan3A_13, %scan3A_14 : i32
    %scan3A_16 = arith.constant 1 : i32
    scf.for %scan3A_18 = %scan3A_13 to %scan3A_15 step %scan3A_16  : i32 {
      %mul3A_19 = arith.constant 2 : i32
      %mul3A_20 = arith.muli %scan3A_18, %mul3A_19 : i32
      %add3A_21 = arith.constant 0 : i32
      %add3A_22 = arith.addi %mul3A_20, %add3A_21 : i32
      %dma_wait3A = arith.constant 0 : i32
      %dma_wait3A_23 = arith.constant 0 : i32
      %dma_wait3A_24 = arith.constant 0 : i32
      %dma_wait3A_25 = tpu.memref_slice %arg6[%dma_wait3A, %dma_wait3A_23, %dma_wait3A_24] : memref<2x800x64xf32, #tpu.memory_space<vmem>> -> memref<1x800x64xf32, #tpu.memory_space<vmem>>
      %dma_wait3A_26 = tpu.memref_squeeze %dma_wait3A_25 : memref<1x800x64xf32, #tpu.memory_space<vmem>> -> memref<800x64xf32, #tpu.memory_space<vmem>>
      %dma_wait3A_27 = arith.constant 0 : i32
      %dma_wait3A_28 = arith.constant 0 : i32
      %dma_wait3A_29 = tpu.memref_slice %arg3[%dma_wait3A_27, %dma_wait3A_28] : memref<1000000x64xf32, #tpu.memory_space<hbm>> -> memref<800x64xf32, #tpu.memory_space<hbm>>
      %dma_wait3A_30 = arith.constant 0 : i32
      %dma_wait3A_31 = arith.constant 0 : i32
      %dma_wait3A_32 = tpu.memref_slice %arg6[%dma_wait3A, %dma_wait3A_30, %dma_wait3A_31] : memref<2x800x64xf32, #tpu.memory_space<vmem>> -> memref<1x800x64xf32, #tpu.memory_space<vmem>>
      %dma_wait3A_33 = tpu.memref_squeeze %dma_wait3A_32 : memref<1x800x64xf32, #tpu.memory_space<vmem>> -> memref<800x64xf32, #tpu.memory_space<vmem>>
      %dma_wait3A_34 = arith.constant 0 : i32
      %dma_wait3A_35 = arith.constant 0 : i32
      %dma_wait3A_36 = tpu.memref_slice %arg3[%dma_wait3A_34, %dma_wait3A_35] : memref<1000000x64xf32, #tpu.memory_space<hbm>> -> memref<800x64xf32, #tpu.memory_space<hbm>>
      tpu.wait_dma2 semaphore(%arg7 : memref<!tpu.dma_semaphore, #tpu.memory_space<semaphore_mem>>) src(%dma_wait3A_36 : memref<800x64xf32, #tpu.memory_space<hbm>>) dst(%dma_wait3A_33 : memref<800x64xf32, #tpu.memory_space<vmem>>)
      %lt3A = arith.constant 31 : i32
      %lt3A_37 = arith.cmpi slt, %add3A_22, %lt3A : i32
      %convert_element_type3A = arith.extui %lt3A_37 : i1 to i32
      %cond3A = arith.constant 0 : i32
      %cond3A_38 = arith.cmpi ne, %convert_element_type3A, %cond3A : i32
      scf.if %cond3A_38 {
        %add3A_72 = arith.constant 1 : i32
        %add3A_73 = arith.addi %add3A_22, %add3A_72 : i32
        %mul3A_74 = arith.constant 800 : i32
        %mul3A_75 = arith.muli %add3A_73, %mul3A_74 : i32
        %multiple_of3A_76 = tpu.assume_multiple %mul3A_75, 800 : i32
        %dma_start3A_77 = arith.constant 1 : i32
        %dma_start3A_78 = arith.constant 0 : i32
        %dma_start3A_79 = arith.constant 0 : i32
        %dma_start3A_80 = tpu.memref_slice %arg6[%dma_start3A_77, %dma_start3A_78, %dma_start3A_79] : memref<2x800x64xf32, #tpu.memory_space<vmem>> -> memref<1x800x64xf32, #tpu.memory_space<vmem>>
        %dma_start3A_81 = tpu.memref_squeeze %dma_start3A_80 : memref<1x800x64xf32, #tpu.memory_space<vmem>> -> memref<800x64xf32, #tpu.memory_space<vmem>>
        %dma_start3A_82 = tpu.memref_slice %arg5[%multiple_of3A_76] : memref<25600xi32, #tpu.memory_space<vmem>> -> memref<800xi32, #tpu.memory_space<vmem>>
        %dma_start3A_83 = arith.constant 0 : i32
        %dma_start3A_84 = arith.constant 0 : i32
        %dma_start3A_85 = tpu.memref_slice %arg3[%dma_start3A_83, %dma_start3A_84] : memref<1000000x64xf32, #tpu.memory_space<hbm>> -> memref<1000000x64xf32, #tpu.memory_space<hbm>>
        tpu.enqueue_indirect_dma source(%dma_start3A_85 : memref<1000000x64xf32, #tpu.memory_space<hbm>>) target(%dma_start3A_81 : memref<800x64xf32, #tpu.memory_space<vmem>>) offsets(%dma_start3A_82 : memref<800xi32, #tpu.memory_space<vmem>>) semaphore(%arg8 : memref<!tpu.dma_semaphore, #tpu.memory_space<semaphore_mem>>)
      } else {
      }
      %mul3A_39 = arith.constant 800 : i32
      %mul3A_40 = arith.muli %add3A_22, %mul3A_39 : i32
      %add3A_41 = arith.addi %mul3A_2, %mul3A_40 : i32
      %multiple_of3A_42 = tpu.assume_multiple %add3A_41, 800 : i32
      %run_scoped3A = arith.constant 0 : i32
      "tpu.region"() ({
        %run_scoped3A_72 = tpu.sem_alloc : memref<!tpu.dma_semaphore, #tpu.memory_space<semaphore_mem>>
        %dma_start3A_73 = arith.constant 0 : i32
        %dma_start3A_74 = arith.constant 0 : i32
        %dma_start3A_75 = tpu.memref_slice %arg6[%run_scoped3A, %dma_start3A_73, %dma_start3A_74] : memref<2x800x64xf32, #tpu.memory_space<vmem>> -> memref<1x800x64xf32, #tpu.memory_space<vmem>>
        %dma_start3A_76 = tpu.memref_squeeze %dma_start3A_75 : memref<1x800x64xf32, #tpu.memory_space<vmem>> -> memref<800x64xf32, #tpu.memory_space<vmem>>
        %dma_start3A_77 = arith.constant 0 : i32
        %dma_start3A_78 = tpu.memref_slice %arg4[%multiple_of3A_42, %dma_start3A_77] : memref<819200x128xf32, #tpu.memory_space<hbm>> -> memref<800x64xf32, #tpu.memory_space<hbm>>
        %dma_start3A_79 = arith.constant 0 : i32
        %dma_start3A_80 = tpu.memref_slice %arg4[%multiple_of3A_42, %dma_start3A_79] : memref<819200x128xf32, #tpu.memory_space<hbm>> -> memref<800x64xf32, #tpu.memory_space<hbm>>
        %dma_start3A_81 = arith.constant 0 : i32
        %dma_start3A_82 = arith.constant 0 : i32
        %dma_start3A_83 = tpu.memref_slice %arg6[%run_scoped3A, %dma_start3A_81, %dma_start3A_82] : memref<2x800x64xf32, #tpu.memory_space<vmem>> -> memref<1x800x64xf32, #tpu.memory_space<vmem>>
        %dma_start3A_84 = tpu.memref_squeeze %dma_start3A_83 : memref<1x800x64xf32, #tpu.memory_space<vmem>> -> memref<800x64xf32, #tpu.memory_space<vmem>>
        tpu.enqueue_dma source(%dma_start3A_84 : memref<800x64xf32, #tpu.memory_space<vmem>>) target(%dma_start3A_80 : memref<800x64xf32, #tpu.memory_space<hbm>>) target_semaphore(%run_scoped3A_72 : memref<!tpu.dma_semaphore, #tpu.memory_space<semaphore_mem>>)
        %dma_wait3A_85 = arith.constant 0 : i32
        %dma_wait3A_86 = arith.constant 0 : i32
        %dma_wait3A_87 = tpu.memref_slice %arg6[%run_scoped3A, %dma_wait3A_85, %dma_wait3A_86] : memref<2x800x64xf32, #tpu.memory_space<vmem>> -> memref<1x800x64xf32, #tpu.memory_space<vmem>>
        %dma_wait3A_88 = tpu.memref_squeeze %dma_wait3A_87 : memref<1x800x64xf32, #tpu.memory_space<vmem>> -> memref<800x64xf32, #tpu.memory_space<vmem>>
        %dma_wait3A_89 = arith.constant 0 : i32
        %dma_wait3A_90 = tpu.memref_slice %arg4[%multiple_of3A_42, %dma_wait3A_89] : memref<819200x128xf32, #tpu.memory_space<hbm>> -> memref<800x64xf32, #tpu.memory_space<hbm>>
        %dma_wait3A_91 = arith.constant 0 : i32
        %dma_wait3A_92 = tpu.memref_slice %arg4[%multiple_of3A_42, %dma_wait3A_91] : memref<819200x128xf32, #tpu.memory_space<hbm>> -> memref<800x64xf32, #tpu.memory_space<hbm>>
        %dma_wait3A_93 = arith.constant 0 : i32
        %dma_wait3A_94 = arith.constant 0 : i32
        %dma_wait3A_95 = tpu.memref_slice %arg6[%run_scoped3A, %dma_wait3A_93, %dma_wait3A_94] : memref<2x800x64xf32, #tpu.memory_space<vmem>> -> memref<1x800x64xf32, #tpu.memory_space<vmem>>
        %dma_wait3A_96 = tpu.memref_squeeze %dma_wait3A_95 : memref<1x800x64xf32, #tpu.memory_space<vmem>> -> memref<800x64xf32, #tpu.memory_space<vmem>>
        tpu.wait_dma2 semaphore(%run_scoped3A_72 : memref<!tpu.dma_semaphore, #tpu.memory_space<semaphore_mem>>) src(%dma_wait3A_96 : memref<800x64xf32, #tpu.memory_space<vmem>>) dst(%dma_wait3A_92 : memref<800x64xf32, #tpu.memory_space<hbm>>)
        tpu.yield
      }) : () -> ()
      %mul3A_43 = arith.constant 2 : i32
      %mul3A_44 = arith.muli %scan3A_18, %mul3A_43 : i32
      %add3A_45 = arith.constant 1 : i32
      %add3A_46 = arith.addi %mul3A_44, %add3A_45 : i32
      %dma_wait3A_47 = arith.constant 1 : i32
      %dma_wait3A_48 = arith.constant 0 : i32
      %dma_wait3A_49 = arith.constant 0 : i32
      %dma_wait3A_50 = tpu.memref_slice %arg6[%dma_wait3A_47, %dma_wait3A_48, %dma_wait3A_49] : memref<2x800x64xf32, #tpu.memory_space<vmem>> -> memref<1x800x64xf32, #tpu.memory_space<vmem>>
      %dma_wait3A_51 = tpu.memref_squeeze %dma_wait3A_50 : memref<1x800x64xf32, #tpu.memory_space<vmem>> -> memref<800x64xf32, #tpu.memory_space<vmem>>
      %dma_wait3A_52 = arith.constant 0 : i32
      %dma_wait3A_53 = arith.constant 0 : i32
      %dma_wait3A_54 = tpu.memref_slice %arg3[%dma_wait3A_52, %dma_wait3A_53] : memref<1000000x64xf32, #tpu.memory_space<hbm>> -> memref<800x64xf32, #tpu.memory_space<hbm>>
      %dma_wait3A_55 = arith.constant 0 : i32
      %dma_wait3A_56 = arith.constant 0 : i32
      %dma_wait3A_57 = tpu.memref_slice %arg6[%dma_wait3A_47, %dma_wait3A_55, %dma_wait3A_56] : memref<2x800x64xf32, #tpu.memory_space<vmem>> -> memref<1x800x64xf32, #tpu.memory_space<vmem>>
      %dma_wait3A_58 = tpu.memref_squeeze %dma_wait3A_57 : memref<1x800x64xf32, #tpu.memory_space<vmem>> -> memref<800x64xf32, #tpu.memory_space<vmem>>
      %dma_wait3A_59 = arith.constant 0 : i32
      %dma_wait3A_60 = arith.constant 0 : i32
      %dma_wait3A_61 = tpu.memref_slice %arg3[%dma_wait3A_59, %dma_wait3A_60] : memref<1000000x64xf32, #tpu.memory_space<hbm>> -> memref<800x64xf32, #tpu.memory_space<hbm>>
      tpu.wait_dma2 semaphore(%arg8 : memref<!tpu.dma_semaphore, #tpu.memory_space<semaphore_mem>>) src(%dma_wait3A_61 : memref<800x64xf32, #tpu.memory_space<hbm>>) dst(%dma_wait3A_58 : memref<800x64xf32, #tpu.memory_space<vmem>>)
      %lt3A_62 = arith.constant 31 : i32
      %lt3A_63 = arith.cmpi slt, %add3A_46, %lt3A_62 : i32
      %convert_element_type3A_64 = arith.extui %lt3A_63 : i1 to i32
      %cond3A_65 = arith.constant 0 : i32
      %cond3A_66 = arith.cmpi ne, %convert_element_type3A_64, %cond3A_65 : i32
      scf.if %cond3A_66 {
        %add3A_72 = arith.constant 1 : i32
        %add3A_73 = arith.addi %add3A_46, %add3A_72 : i32
        %mul3A_74 = arith.constant 800 : i32
        %mul3A_75 = arith.muli %add3A_73, %mul3A_74 : i32
        %multiple_of3A_76 = tpu.assume_multiple %mul3A_75, 800 : i32
        %dma_start3A_77 = arith.constant 0 : i32
        %dma_start3A_78 = arith.constant 0 : i32
        %dma_start3A_79 = arith.constant 0 : i32
        %dma_start3A_80 = tpu.memref_slice %arg6[%dma_start3A_77, %dma_start3A_78, %dma_start3A_79] : memref<2x800x64xf32, #tpu.memory_space<vmem>> -> memref<1x800x64xf32, #tpu.memory_space<vmem>>
        %dma_start3A_81 = tpu.memref_squeeze %dma_start3A_80 : memref<1x800x64xf32, #tpu.memory_space<vmem>> -> memref<800x64xf32, #tpu.memory_space<vmem>>
        %dma_start3A_82 = tpu.memref_slice %arg5[%multiple_of3A_76] : memref<25600xi32, #tpu.memory_space<vmem>> -> memref<800xi32, #tpu.memory_space<vmem>>
        %dma_start3A_83 = arith.constant 0 : i32
        %dma_start3A_84 = arith.constant 0 : i32
        %dma_start3A_85 = tpu.memref_slice %arg3[%dma_start3A_83, %dma_start3A_84] : memref<1000000x64xf32, #tpu.memory_space<hbm>> -> memref<1000000x64xf32, #tpu.memory_space<hbm>>
        tpu.enqueue_indirect_dma source(%dma_start3A_85 : memref<1000000x64xf32, #tpu.memory_space<hbm>>) target(%dma_start3A_81 : memref<800x64xf32, #tpu.memory_space<vmem>>) offsets(%dma_start3A_82 : memref<800xi32, #tpu.memory_space<vmem>>) semaphore(%arg7 : memref<!tpu.dma_semaphore, #tpu.memory_space<semaphore_mem>>)
      } else {
      }
      %mul3A_67 = arith.constant 800 : i32
      %mul3A_68 = arith.muli %add3A_46, %mul3A_67 : i32
      %add3A_69 = arith.addi %mul3A_2, %mul3A_68 : i32
      %multiple_of3A_70 = tpu.assume_multiple %add3A_69, 800 : i32
      %run_scoped3A_71 = arith.constant 1 : i32
      "tpu.region"() ({
        %run_scoped3A_72 = tpu.sem_alloc : memref<!tpu.dma_semaphore, #tpu.memory_space<semaphore_mem>>
        %dma_start3A_73 = arith.constant 0 : i32
        %dma_start3A_74 = arith.constant 0 : i32
        %dma_start3A_75 = tpu.memref_slice %arg6[%run_scoped3A_71, %dma_start3A_73, %dma_start3A_74] : memref<2x800x64xf32, #tpu.memory_space<vmem>> -> memref<1x800x64xf32, #tpu.memory_space<vmem>>
        %dma_start3A_76 = tpu.memref_squeeze %dma_start3A_75 : memref<1x800x64xf32, #tpu.memory_space<vmem>> -> memref<800x64xf32, #tpu.memory_space<vmem>>
        %dma_start3A_77 = arith.constant 0 : i32
        %dma_start3A_78 = tpu.memref_slice %arg4[%multiple_of3A_70, %dma_start3A_77] : memref<819200x128xf32, #tpu.memory_space<hbm>> -> memref<800x64xf32, #tpu.memory_space<hbm>>
        %dma_start3A_79 = arith.constant 0 : i32
        %dma_start3A_80 = tpu.memref_slice %arg4[%multiple_of3A_70, %dma_start3A_79] : memref<819200x128xf32, #tpu.memory_space<hbm>> -> memref<800x64xf32, #tpu.memory_space<hbm>>
        %dma_start3A_81 = arith.constant 0 : i32
        %dma_start3A_82 = arith.constant 0 : i32
        %dma_start3A_83 = tpu.memref_slice %arg6[%run_scoped3A_71, %dma_start3A_81, %dma_start3A_82] : memref<2x800x64xf32, #tpu.memory_space<vmem>> -> memref<1x800x64xf32, #tpu.memory_space<vmem>>
        %dma_start3A_84 = tpu.memref_squeeze %dma_start3A_83 : memref<1x800x64xf32, #tpu.memory_space<vmem>> -> memref<800x64xf32, #tpu.memory_space<vmem>>
        tpu.enqueue_dma source(%dma_start3A_84 : memref<800x64xf32, #tpu.memory_space<vmem>>) target(%dma_start3A_80 : memref<800x64xf32, #tpu.memory_space<hbm>>) target_semaphore(%run_scoped3A_72 : memref<!tpu.dma_semaphore, #tpu.memory_space<semaphore_mem>>)
        %dma_wait3A_85 = arith.constant 0 : i32
        %dma_wait3A_86 = arith.constant 0 : i32
        %dma_wait3A_87 = tpu.memref_slice %arg6[%run_scoped3A_71, %dma_wait3A_85, %dma_wait3A_86] : memref<2x800x64xf32, #tpu.memory_space<vmem>> -> memref<1x800x64xf32, #tpu.memory_space<vmem>>
        %dma_wait3A_88 = tpu.memref_squeeze %dma_wait3A_87 : memref<1x800x64xf32, #tpu.memory_space<vmem>> -> memref<800x64xf32, #tpu.memory_space<vmem>>
        %dma_wait3A_89 = arith.constant 0 : i32
        %dma_wait3A_90 = tpu.memref_slice %arg4[%multiple_of3A_70, %dma_wait3A_89] : memref<819200x128xf32, #tpu.memory_space<hbm>> -> memref<800x64xf32, #tpu.memory_space<hbm>>
        %dma_wait3A_91 = arith.constant 0 : i32
        %dma_wait3A_92 = tpu.memref_slice %arg4[%multiple_of3A_70, %dma_wait3A_91] : memref<819200x128xf32, #tpu.memory_space<hbm>> -> memref<800x64xf32, #tpu.memory_space<hbm>>
        %dma_wait3A_93 = arith.constant 0 : i32
        %dma_wait3A_94 = arith.constant 0 : i32
        %dma_wait3A_95 = tpu.memref_slice %arg6[%run_scoped3A_71, %dma_wait3A_93, %dma_wait3A_94] : memref<2x800x64xf32, #tpu.memory_space<vmem>> -> memref<1x800x64xf32, #tpu.memory_space<vmem>>
        %dma_wait3A_96 = tpu.memref_squeeze %dma_wait3A_95 : memref<1x800x64xf32, #tpu.memory_space<vmem>> -> memref<800x64xf32, #tpu.memory_space<vmem>>
        tpu.wait_dma2 semaphore(%run_scoped3A_72 : memref<!tpu.dma_semaphore, #tpu.memory_space<semaphore_mem>>) src(%dma_wait3A_96 : memref<800x64xf32, #tpu.memory_space<vmem>>) dst(%dma_wait3A_92 : memref<800x64xf32, #tpu.memory_space<hbm>>)
        tpu.yield
      }) : () -> ()
    }
    %scan3A_17 = arith.constant 16 : i32
    return
  }
}

</mosaic_0001>

<sc_bundles>
// kernel: _embed.3.cloned.1.call-start
scs
__scs_entry_jumppad:
0x0: {  	(pc) =	sbr.rel $0x88, $3  }
0x1: {  	(tag) =	ssettag $0x0;
	lr =	simm.s32 $0x1  }
0x2: {  	[smem:$0x3F9F] =	sst lr;
	_ =	strace $0xD0000000  }
0x3: {  	_ = 	snop  }
0x4: {  	_ = 	snop  }
0x5: {  	_ = 	snop  }
0x6: {  	_ = 	snop  }
0x7: {  	_ = 	snop  }
__scs_overlays_trampoline_lowered:
0x8: {  	[smem:$0x3FAE] =	sst s0  }
0x9: {  	[smem:$0x3FAF] =	sst s1  }
0xa: {  	[smem:$0x3FB0] =	sst s2  }
0xb: {  	[smem:$0x3FB1] =	sst s3  }
0xc: {  	[smem:$0x3FB2] =	sst s4  }
0xd: {  	[smem:$0x3FB3] =	sst s5  }
0xe: {  	[smem:$0x3FB4] =	sst s6  }
0xf: {  	[smem:$0x3FB5] =	sst s7  }
0x10: {  	[smem:$0x3FB6] =	sst s8  }
0x11: {  	[smem:$0x3FB7] =	sst s9;
	s0 =	simm.s32 @!p0 $0x0  }
0x12: {  	s1 =	sld [smem:$0x3F9D];
	s0 =	simm.s32 @p0 $0x1  }
0x13: {  	[smem:$0x3FB8] =	sst s0;
	s0 =	simm.s32 @!p1 $0x0  }
0x14: {  	s2 =	sld [smem:$0x3F9C];
	s0 =	simm.s32 @p1 $0x1  }
0x15: {  	[smem:$0x3FB9] =	sst s0;
	s0 =	simm.s32 @!p2 $0x0  }
0x16: {  	s3 =	sld [smem:$0x3FDB];
	s0 =	simm.s32 @p2 $0x1  }
0x17: {  	s4 =	simm.s32 $0x1BF5;
	[smem:$0x3FBB] =	sst s0  }
0x18: {  	s0 =	sld [smem:$0x3F9E];
	_ =	swait.ge [sflag:s4], $0x0  }
0x19: {  	s7 =	sld [smem:$0x3F9F]  }
0x1a: {  	s8 =	sadd.s32 $0xFFFFE003, lr  }
0x1b: {  	s9 =	sadd.s32 $0xFFFFFEF7, lr;
	s5 =	simm.s32 $0xFFFFFFFF;
	p2 =	slt.u32 s8, $0xFFFFF086  }
0x1c: {  	p1 =	slt.u32 s9, $0xF7A;
	s5 =	simm.s32 @!p2 $0x0  }
0x1d: {  	s5 =	simm.s32 @p1 $0x1;
	p0 =	seq.s32 s7, s2  }
0x1e: {  	s7 =	smul.u32 @!p0 $0xF7A, s2;
	p2 =	seq.s32 @!p0 s5, $0x0  }
0x1f: {  	s9 =	smul.u32 $0xF7A, s1;
	s8 =	simm.s32 @!p0 $0x1BF5;
	p2 =	por !p2, p0  }
0x20: {  	[sflag:s8] =	ssyncset.s32 @!p0 $0xFFFFF086;
	s6 =	sadd.s32 @!p0 s3, s7;
	s7 =	simm.s32 @!p0 $0x108  }
0x21: {  	s3 =	sadd.s32 s3, s9;
	s6 =	sadd.s32 @!p0 $0x88, s6;
	s7 =	simm.s32 @p2 $0x1082  }
0x22: {  	[simem:s7], [sflag:s8] =	dma.local @!p0 [hbm:s6], $0xF7A  }
0x23: {  	s9 =	sor.u32 $0xD0000000, s2;
	s6 =	simm.s32 $0x108;
	_ =	swait.ge @!p0 [sflag:s8], $0x0  }
0x24: {  	s3 =	sadd.s32 $0x88, s3;
	s6 =	simm.s32 @!p1 $0x1082;
	[sflag:s4] =	ssyncset.s32 $0xFFFFF086  }
0x25: {  	[simem:s6], [sflag:s4] =	dma.local [hbm:s3], $0xF7A  }
0x26: {  	[smem:$0x3F9F] =	sst s1;
	(tag) =	ssettag s2;
	_ =	strace s9  }
0x27: {  	s1 =	sld [smem:$0x3FAF]  }
0x28: {  	s2 =	sld [smem:$0x3FB0]  }
0x29: {  	s4 =	sld [smem:$0x3FB2]  }
0x2a: {  	p0 =	seq.s32 s5, $0x0;
	s5 =	sld [smem:$0x3FB3]  }
0x2b: {  	s6 =	sld [smem:$0x3FB4]  }
0x2c: {  	s7 =	sld [smem:$0x3FB5]  }
0x2d: {  	s3 =	simm.s32 $0x108;
	s8 =	sld [smem:$0x3FB6]  }
0x2e: {  	s3 =	simm.s32 @!p0 $0x1082;
	s9 =	sld [smem:$0x3FB7]  }
0x2f: {  	lr =	sadd.s32 s0, s3;
	s0 =	sld [smem:$0x3FAE]  }
0x30: {  	s3 =	sld [smem:$0x3FB1]  }
0x31: {  	[smem:$0x3FBA] =	sst s10  }
0x32: {  	s10 =	sld [smem:$0x3FB8];
	_ =	sdelay $0x3  }
0x33: {  	p0 =	seq.s32 s10, $0x1;
	s10 =	sld [smem:$0x3FBA];
	_ =	sdelay $0x3  }
0x34: {  	[smem:$0x3FBA] =	sst s10  }
0x35: {  	s10 =	sld [smem:$0x3FB9];
	_ =	sdelay $0x3  }
0x36: {  	p1 =	seq.s32 s10, $0x1;
	s10 =	sld [smem:$0x3FBA];
	_ =	sdelay $0x3  }
0x37: {  	[smem:$0x3FBA] =	sst s10  }
0x38: {  	s10 =	sld [smem:$0x3FBB]  }
0x39: {  	_ = 	snop;
	(pc) =	sbr.ind lr, $3  }
0x3a: {  	_ = 	snop  }
0x3b: {  	_ = 	snop  }
0x3c: {  	p2 =	seq.s32 s10, $0x1;
	s10 =	sld [smem:$0x3FBA]  }
0x3d: {  	_ =	shalt  }
0x3e: {  	_ =	shalt  }
0x3f: {  	_ =	shalt  }
0x40: {  	_ =	shalt  }
0x41: {  	_ =	shalt  }
0x42: {  	_ =	shalt  }
0x43: {  	_ =	shalt  }
0x44: {  	_ =	shalt  }
0x45: {  	_ =	shalt  }
0x46: {  	_ =	shalt  }
0x47: {  	_ =	shalt  }
0x48: {  	_ =	shalt  }
0x49: {  	_ =	shalt  }
0x4a: {  	_ =	shalt  }
0x4b: {  	_ =	shalt  }
0x4c: {  	_ =	shalt  }
0x4d: {  	_ =	shalt  }
0x4e: {  	_ =	shalt  }
0x4f: {  	_ =	shalt  }
0x50: {  	_ =	shalt  }
0x51: {  	_ =	shalt  }
0x52: {  	_ =	shalt  }
0x53: {  	_ =	shalt  }
0x54: {  	_ =	shalt  }
0x55: {  	_ =	shalt  }
0x56: {  	_ =	shalt  }
0x57: {  	_ =	shalt  }
0x58: {  	_ =	shalt  }
0x59: {  	_ =	shalt  }
0x5a: {  	_ =	shalt  }
0x5b: {  	_ =	shalt  }
0x5c: {  	_ =	shalt  }
0x5d: {  	_ =	shalt  }
0x5e: {  	_ =	shalt  }
0x5f: {  	_ =	shalt  }
0x60: {  	_ =	shalt  }
0x61: {  	_ =	shalt  }
0x62: {  	_ =	shalt  }
0x63: {  	_ =	shalt  }
0x64: {  	_ =	shalt  }
0x65: {  	_ =	shalt  }
0x66: {  	_ =	shalt  }
0x67: {  	_ =	shalt  }
0x68: {  	_ =	shalt  }
0x69: {  	_ =	shalt  }
0x6a: {  	_ =	shalt  }
0x6b: {  	_ =	shalt  }
0x6c: {  	_ =	shalt  }
0x6d: {  	_ =	shalt  }
0x6e: {  	_ =	shalt  }
0x6f: {  	_ =	shalt  }
0x70: {  	_ =	shalt  }
0x71: {  	_ =	shalt  }
0x72: {  	_ =	shalt  }
0x73: {  	_ =	shalt  }
0x74: {  	_ =	shalt  }
0x75: {  	_ =	shalt  }
0x76: {  	_ =	shalt  }
0x77: {  	_ =	shalt  }
0x78: {  	_ =	shalt  }
0x79: {  	_ =	shalt  }
0x7a: {  	_ =	shalt  }
0x7b: {  	_ =	shalt  }
0x7c: {  	_ =	shalt  }
0x7d: {  	_ =	shalt  }
0x7e: {  	_ =	shalt  }
0x7f: {  	_ =	shalt  }
0x80: {  	_ =	shalt  }
0x81: {  	_ =	shalt  }
0x82: {  	_ =	shalt  }
0x83: {  	_ =	shalt  }
0x84: {  	_ =	shalt  }
0x85: {  	_ =	shalt  }
0x86: {  	_ =	shalt  }
0x87: {  	_ =	shalt  }
.Lfunc_end0:
.L_simem_size_0:
called_computation_lowered:
.L_overlay_start_0:
0x88: {  	s2 =	sld [smem:$0x3FD9]  }
0x89: {  	s3 =	sld [smem:$0x3FFE];
	_ =	sdelay $0x1  }
0x8a: {  	s1 =	srdreg.scid  }
0x8b: {  	s0 =	sand.u32 $0x1, s1  }
0x8c: {  	s17 =	sshll.u32 s0, $0xA;
	s2 =	sadd.s32 s3, s2  }
0x8d: {  	s2 =	sadd.s32 s2, s17  }
0x8e: {  	[smem:$0x3FC6] =	sst s2  }
0x8f: {  	_ = 	snop  }
0x90: {  	s2 =	sld [smem:$0x3FC9]  }
0x91: {  	s18 =	sld [smem:$0x3FD0];
	(tm) =	ssettm $0x1  }
0x92: {  	s4 =	sld [smem:$0x3FFB];
	_ =	sdelay $0x3  }
0x93: {  	_ =	strace s4  }
0x94: {  	s4 =	sld [smem:$0x3FFC];
	_ =	sdelay $0x3  }
0x95: {  	_ =	strace s4  }
0x96: {  	s4 =	sld [smem:$0x3FFD];
	_ =	sdelay $0x3  }
0x97: {  	_ =	strace s4  }
0x98: {  	_ =	strace $0x8FFFFFFF  }
0x99: {  	s19 =	sld [smem:$0x3FDB];
	_ =	sdelay $0x1  }
0x9a: {  	s5 =	simm.s32 $_scs_section_size  }
0x9b: {  	s6 =	simm.s32 $_size__tile_overlayer_lowered;
	s7 =	simm.s32 $_tile_overlayer_lowered  }
0x9c: {  	s22 =	simm.s32 $0x1BFF;
	s21 =	sshll.u32 s7, $0x1;
	s4 =	sadd.s32 s5, s19  }
0x9d: {  	s8 =	simm.s32 $0x0;
	s20 =	sshll.u32 s6, $0x1;
	s6 =	sadd.s32 s21, s4  }
0x9e: {  	[timem:s8], [sflag:s22] =	dma.local [hbm:s6], s20  }
0x9f: {  	_ =	swait.ge [sflag:s22], s20  }
0xa0: {  	s5 =	ssub.s32 $0x0, s20;
	[sflag:s22] =	ssyncset.done $0x0  }
0xa1: {  	[sflag:s22] =	ssyncadd.s32 s5;
	_ =	sdelay $0x1  }
0xa2: {  	s23 =	simm.s32 $0x1B8B  }
0xa3: {  	_ =	swait.ge [sflag:s23], $0x1  }
0xa4: {  	[sflag:s23] =	ssyncset.done $0x0  }
0xa5: {  	s25 =	simm.s32 $0x1B8E;
	s24 =	sld [smem:$0x3FFE];
	[sflag:s23] =	ssyncadd.s32 $0xFFFFFFFF  }
0xa6: {  	s26 =	simm.s32 $execute0_lowered;
	[smem:$0x3FD2] =	sst s25  }
0xa7: {  	s6 =	sshll.u32 s26, $0x1;
	_ =	strace $0x80000046;
	[dreg:$0x1] =	wrdreg $0xFFFFFFFF  }
0xa8: {  	s28 =	simm.s32 $_size_execute0_lowered;
	s4 =	sadd.s32 s4, s6;
	[dreg:$0x0] =	wrdreg $0x0  }
0xa9: {  	s6 =	sshll.u32 s28, $0x1;
	[dreg:$0x2] =	wrdreg s4  }
0xaa: {  	[dreg:$0x3] =	wrdreg s6  }
0xab: {  	[dreg:$0x4] =	wrdreg $0xC0  }
0xac: {  	_ =	task [dreg:s8], $0x5FFFF  }
0xad: {  	[dreg:$0x1] =	wrdreg $0xFFFFFFFF  }
0xae: {  	[dreg:$0x0] =	wrdreg $0x60  }
0xaf: {  	[dreg:$0x2] =	wrdreg s2  }
0xb0: {  	[dreg:$0x3] =	wrdreg s24  }
0xb1: {  	[dreg:$0x4] =	wrdreg s18  }
0xb2: {  	[dreg:$0x5] =	wrdreg $0x9  }
0xb3: {  	_ =	task.clear_ibuf [dreg:s8], $0x6FFFF;
	_ =	strace $0x90000046  }
0xb4: {  	s29 =	simm.s32 $0x9;
	_ =	strace $0x80000048  }
0xb5: {  	_ =	swait.ge [sflag:s29], $0x1  }
0xb6: {  	[sflag:s29] =	ssyncadd.s32 $0xFFFFFFFF  }
0xb7: {  	_ =	strace $0x90000048  }
0xb8: {  	_ =	sfence  }
0xb9: {  	s30 =	sld [smem:$0x0];
	_ =	sdelay $0x2  }
0xba: {  	s31 =	sshll.u32 s1, $0xD;
	s1 =	sshrl.u32 s1, $0x2  }
0xbb: {  	s3 =	sand.u32 $0x4000, s31;
	s1 =	sadd.s32 s1, s30  }
0xbc: {  	s0 =	sor.u32 s3, s0;
	s1 =	sshll.u32 s1, $0x11  }
0xbd: {  	s0 =	sor.u32 s1, s0  }
0xbe: {  	s0 =	sadd.s32 $0x8F2B, s0  }
0xbf: {  	[sflag:s0] =	ssyncadd.remote.s32 $0x1  }
0xc0: {  	_ =	sfence.sel $0xFFFF  }
0xc1: {  	[dreg:$0x0] =	wrdreg $0xFFFFFFFF;
	(pc) =	sbr.abs _section_cstart, $3  }
0xc2: {  	[dreg:$0x1] =	wrdreg $0xFFFFFFFF  }
0xc3: {  	_ =	task.clear_ibuf [dreg:s8], $0x2FFFF;
	_ =	strace $0x9FFFFFFF  }
0xc4: {  	(tm) =	ssettm $0x7FFFFFFF  }
0xc5: {  	_ =	shalt  }
tec
execute0_lowered:
.L_overlay_start_1:
0x0: {  	(tag) =	ssettag $0x1  }
0x1: {  	s4 =	rddreg [dreg:$0x0]  }
0x2: {  	s3 =	rddreg [dreg:$0x1]  }
0x3: {  	s8 =	rddreg [dreg:$0x2]  }
0x4: {  	s0 =	rddreg [dreg:$0x3];
	s5 =	srdreg.scid  }
0x5: {  	s1 =	stileid.u32;
	s2 =	simm.s32 $0x0;
	s13 =	simm.s32 $0x1  }
0x6: {  	s14 =	simm.s32 $0x12C00;
	s15 =	simm.s32 $0x40;
	s16 =	simm.s32 $0x80  }
0x7: {  	s17 =	simm.s32 $0x2;
	s18 =	simm.s32 $0x60E0;
	s19 =	simm.s32 $0x0  }
0x8: {  	s7 =	sand.u32 $0x1, s5;
	s24 =	sshll.u32 s1, $0x1;
	s10 =	smul.u32 $0xC800, s1  }
0x9: {  	[smem:$0x7FF] =	sst s2;
	s3 =	sadd.s32 $0xF42800, s3;
	s29 =	smul.u32 $0xC8000, s1  }
0xa: {  	s5 =	sor.u32 s7, s24;
	s6 =	ssub.s32 $0x2, s7;
	s11 =	smul.u32 $0x6400, s7  }
0xb: {  	_ =	strace $0x80000047;
	s9 =	smul.u32 $0x6400, s5;
	s25 =	sshrl.u32 s6, $0x1  }
0xc: {  	s12 =	smul.u32 $0x64000, s7;
	s31 =	sadd.s32 s29, s8;
	s5 =	ssub.s32 s6, s25  }
0xd: {  	s10 =	sadd.s32 s11, s10;
	s11 =	simm.s32 $0x320;
	s26 =	sshrl.u32 s9, $0x3  }
0xe: {  	s5 =	smax.u32 s5, $0x1;
	s28 =	sshll.u32 s9, $0x4;
	s10 =	sshll.u32 s10, $0x4  }
0xf: {  	s4 =	sadd.s32 s4, s26;
	s9 =	sadd.s32 s8, s28;
	s30 =	sadd.s32 s10, s8  }
0x10: {  	s10 =	simm.s32 $0x3;
	s6 =	sadd.s32 $0x5DC00, s9;
	s7 =	sadd.s32 $0x60E00, s9  }
0x11: {  	s8 =	sadd.s32 $0x3200, s30;
	s9 =	sadd.s32 s12, s31;
	s12 =	simm.s32 $0x6400  }
.LBB2_1:
0x12: {  	[tilespmem:s2], [sflag:$0x3] =	stream.linear.gather [hbm4b:s4+s2], $0x6400, $0x38;
	[tilespmem:$0x1F400] =	vst v63  }
0x13: {  	_ =	swait.ge [sflag:s10], $0x6400  }
0x14: {  	[sflag:s10] =	ssyncset.done $0x0  }
0x15: {  	[sflag:s10] =	ssyncadd.s32 $0xFFFF9C00  }
0x16: {  	[tilespmem:s12], [sflag:$0x1] =	stream.indirect.gather [hbm4b:s3+s11], $0x40, s2, s11, $0xb8;
	[tilespmem:$0x1F400] =	vst v63  }
0x17: {  	_ =	swait.ge [sflag:s13], $0xC800  }
0x18: {  	[sflag:s13] =	ssyncset.done $0x0  }
0x19: {  	s20 =	simm.s32 $0x320;
	[sflag:s13] =	ssyncadd.s32 $0xFFFF3800  }
0x1a: {  	[tilespmem:s14], [sflag:$0x2] =	stream.indirect.gather [hbm4b:s3+s11], $0x40, s20, s11, $0xb8;
	[tilespmem:$0x1F400] =	vst v63  }
0x1b: {  	s31 =	sadd.s32 $0x0, s9  }
0x1c: {  	[hbm4b:s31+s15] =	stream.strided.scatter [tilespmem:s12], [sflag:$0x3], $0xC800, s16, s15, $0x38;
	[tilespmem:$0x1F400] =	vst v63  }
0x1d: {  	_ =	swait.ge [sflag:s10], $0xC800  }
0x1e: {  	[sflag:s10] =	ssyncset.done $0x0  }
0x1f: {  	[sflag:s10] =	ssyncadd.s32 $0xFFFF3800  }
0x20: {  	_ =	swait.ge [sflag:s17], $0xC800  }
0x21: {  	[sflag:s17] =	ssyncset.done $0x0  }
0x22: {  	s20 =	simm.s32 $0x640;
	[sflag:s17] =	ssyncadd.s32 $0xFFFF3800  }
0x23: {  	[tilespmem:s12], [sflag:$0x1] =	stream.indirect.gather [hbm4b:s3+s11], $0x40, s20, s11, $0xb8;
	[tilespmem:$0x1F400] =	vst v63  }
0x24: {  	s21 =	sadd.s32 $0x0, s8  }
0x25: {  	[hbm4b:s21+s15] =	stream.strided.scatter [tilespmem:s14], [sflag:$0x3], $0xC800, s16, s15, $0x38;
	[tilespmem:$0x1F400] =	vst v63  }
0x26: {  	_ =	swait.ge [sflag:s10], $0xC800  }
0x27: {  	s21 =	simm.s32 $0x6400;
	[sflag:s10] =	ssyncset.done $0x0  }
.LBB2_2:
0x28: {  	p0 =	sne.s32 s21, $0x57800;
	[sflag:s10] =	ssyncadd.s32 $0xFFFF3800;
	s20 =	sadd.s32 $0x640, s20  }
0x29: {  	s22 =	smov.u32 s21;
	s21 =	sadd.s32 $0x6400, s21  }
0x2a: {  	_ =	swait.ge [sflag:s13], $0xC800  }
0x2b: {  	[sflag:s13] =	ssyncset.done $0x0  }
0x2c: {  	s23 =	sadd.s32 $0xFFFFFCE0, s20;
	[sflag:s13] =	ssyncadd.s32 $0xFFFF3800  }
0x2d: {  	[tilespmem:s14], [sflag:$0x2] =	stream.indirect.gather [hbm4b:s3+s11], $0x40, s23, s11, $0xb8;
	[tilespmem:$0x1F400] =	vst v63  }
0x2e: {  	s23 =	sadd.s32 s22, s9  }
0x2f: {  	[hbm4b:s23+s15] =	stream.strided.scatter [tilespmem:s12], [sflag:$0x3], $0xC800, s16, s15, $0x38;
	[tilespmem:$0x1F400] =	vst v63  }
0x30: {  	_ =	swait.ge [sflag:s10], $0xC800  }
0x31: {  	[sflag:s10] =	ssyncset.done $0x0  }
0x32: {  	[sflag:s10] =	ssyncadd.s32 $0xFFFF3800  }
0x33: {  	_ =	swait.ge [sflag:s17], $0xC800  }
0x34: {  	[sflag:s17] =	ssyncset.done $0x0  }
0x35: {  	[sflag:s17] =	ssyncadd.s32 $0xFFFF3800  }
0x36: {  	[tilespmem:s12], [sflag:$0x1] =	stream.indirect.gather [hbm4b:s3+s11], $0x40, s20, s11, $0xb8;
	[tilespmem:$0x1F400] =	vst v63  }
.Ltmp0:
0x37: {  	_ = 	snop;
	(pc) =	sbr.rel @p0 .LBB2_2-.Ltmp0, $4  }
0x38: {  	s22 =	sadd.s32 s22, s8  }
0x39: {  	[hbm4b:s22+s15] =	stream.strided.scatter [tilespmem:s14], [sflag:$0x3], $0xC800, s16, s15, $0x38;
	[tilespmem:$0x1F400] =	vst v63  }
0x3a: {  	_ =	swait.ge [sflag:s10], $0xC800  }
0x3b: {  	[sflag:s10] =	ssyncset.done $0x0  }
0x3c: {  	[sflag:s10] =	ssyncadd.s32 $0xFFFF3800  }
0x3d: {  	_ =	swait.ge [sflag:s13], $0xC800  }
0x3e: {  	[sflag:s13] =	ssyncset.done $0x0  }
0x3f: {  	[sflag:s13] =	ssyncadd.s32 $0xFFFF3800  }
0x40: {  	[tilespmem:s14], [sflag:$0x2] =	stream.indirect.gather [hbm4b:s3+s11], $0x40, s18, s11, $0xb8;
	[tilespmem:$0x1F400] =	vst v63  }
0x41: {  	_ = 	snop  }
0x42: {  	[hbm4b:s6+s15] =	stream.strided.scatter [tilespmem:s12], [sflag:$0x3], $0xC800, s16, s15, $0x38;
	[tilespmem:$0x1F400] =	vst v63  }
0x43: {  	_ =	swait.ge [sflag:s10], $0xC800  }
0x44: {  	[sflag:s10] =	ssyncset.done $0x0  }
0x45: {  	[sflag:s10] =	ssyncadd.s32 $0xFFFF3800  }
0x46: {  	s19 =	sadd.s32 $0x1, s19;
	_ =	swait.ge [sflag:s17], $0xC800  }
0x47: {  	p0 =	sne.s32 s19, s5;
	[sflag:s17] =	ssyncset.done $0x0  }
.Ltmp1:
0x48: {  	[sflag:s17] =	ssyncadd.s32 $0xFFFF3800;
	(pc) =	sbr.rel @p0 .LBB2_1-.Ltmp1, $4  }
0x49: {  	[hbm4b:s7+s15] =	stream.strided.scatter [tilespmem:s14], [sflag:$0x3], $0xC800, s16, s15, $0x38;
	[tilespmem:$0x1F400] =	vst v63  }
0x4a: {  	_ =	swait.ge [sflag:s10], $0xC800  }
0x4b: {  	[sflag:s10] =	ssyncset.done $0x0  }
0x4c: {  	[sflag:s10] =	ssyncadd.s32 $0xFFFF3800  }
0x4d: {  	_ =	sfence.sel $0x180000  }
0x4e: {  	[bflag:$0x0] =	sbarrier.arrive $0xFFFF  }
0x4f: {  	p0 =	sne.s32 s1, $0x0;
	_ =	strace $0x90000047  }
0x50: {  	s0 =	sadd.s32 @!p0 $0x100000, s0;
	[bflag:$0x2] =	sbarrier.arrive $0xFFFF  }
0x51: {  	[sflag:s0] =	ssyncadd.tile.s32 @!p0 $0x1;
	_ =	shalt  }
.Lfunc_end2:
_tile_overlayer_lowered:
.L_overlay_start_2:
0x52: {  	(tag) =	ssettag $0x2  }
0x53: {  	s0 =	rddreg [dreg:$0x0];
	s2 =	stileid.u32  }
0x54: {  	s1 =	rddreg [dreg:$0x1];
	p0 =	sne.s32 s2, $0x0  }
0x55: {  	s3 =	rddreg [dreg:$0x2];
	[bflag:$0x3] =	sbarrier.arrive $0xFFFF;
	s2 =	simm.s32 @!p0 $0x1C03  }
0x56: {  	[timem:s3], [sflag:s2] =	dma.local @!p0 [hbm:s0], s1  }
0x57: {  	s0 =	simm.s32 @!p0 $0x3  }
0x58: {  	_ =	swait.ge @!p0 [sflag:s0], s1  }
0x59: {  	s1 =	ssub.s32 @!p0 $0x0, s1;
	[sflag:s0] =	ssyncset.done @!p0 $0x0  }
0x5a: {  	[sflag:s0] =	ssyncadd.s32 @!p0 s1  }
0x5b: {  	[bflag:$0x3] =	sbarrier.arrive $0xFFFF  }
0x5c: {  	_ =	shalt  }

</sc_bundles>
